<compile_context>
chip_gen: v7x
topology: tpu7x:2x2x1
jax: 0.10.2.dev20260603
libtpu: 0.0.44.dev20260713+nightly
codegen_flags: <defaults>
</compile_context>

<pallas_src>
import functools

import jax
import jax.numpy as jnp
from jax import lax
from jax.experimental import pallas as pl
from jax.experimental.pallas import tpu as pltpu
from jax.experimental.pallas import tpu_sc as plsc

_NC, _NS, _L = 2, 16, 16
_NW = _NC * _NS


def _sc_gather(x_domain, ac_flat, table):
    f = ac_flat.shape[0]
    d = table.shape[1]
    per_w = f // _NW
    sub = 1024
    n_sub = per_w // sub

    mesh = plsc.VectorSubcoreMesh(core_axis_name="c", subcore_axis_name="s")

    @functools.partial(
        pl.kernel,
        out_type=jax.ShapeDtypeStruct((f, d), table.dtype),
        mesh=mesh,
        scratch_types=[
            pltpu.VMEM((per_w,), jnp.int32),
            pltpu.VMEM((per_w,), jnp.int32),
            pltpu.VMEM((sub, d), table.dtype),
            pltpu.VMEM((sub, d), table.dtype),
            pltpu.SemaphoreType.DMA,
            pltpu.SemaphoreType.DMA,
        ],
        compiler_params=pltpu.CompilerParams(use_tc_tiling_on_sc=False),
    )
    def k(xd_hbm, ac_hbm, t_hbm, out_hbm, ac_v, idx_v, rows_a, rows_b, sa, sb):
        wid = lax.axis_index("s") * _NC + lax.axis_index("c")
        base = wid * per_w
        pltpu.sync_copy(ac_hbm.at[pl.ds(base, per_w)], ac_v)
        pltpu.async_copy(xd_hbm.at[ac_v], idx_v, sa).wait()

        pltpu.async_copy(t_hbm.at[idx_v.at[pl.ds(0, sub)]], rows_a, sa)

        @pl.loop(0, n_sub // 2)
        def _rows(h):
            s = h * 2
            pltpu.async_copy(
                t_hbm.at[idx_v.at[pl.ds((s + 1) * sub, sub)]], rows_b, sb)
            pltpu.make_async_copy(
                t_hbm.at[idx_v.at[pl.ds(s * sub, sub)]], rows_a, sa).wait()
            pltpu.sync_copy(rows_a, out_hbm.at[pl.ds(base + s * sub, sub)])

            @pl.when(s + 2 < n_sub)
            def _():
                pltpu.async_copy(
                    t_hbm.at[idx_v.at[pl.ds((s + 2) * sub, sub)]], rows_a, sa)

            pltpu.make_async_copy(
                t_hbm.at[idx_v.at[pl.ds((s + 1) * sub, sub)]], rows_b, sb
            ).wait()
            pltpu.sync_copy(
                rows_b, out_hbm.at[pl.ds(base + (s + 1) * sub, sub)])

    return k(x_domain, ac_flat, table)


def _tc_kge(cc, pid1, ptab, w, b2):
    n, dcc = cc.shape
    npred, pemb = ptab.shape
    dout = w.shape[1]
    blk = 8192
    grid = n // blk

    def body(cc_ref, pid_ref, ptab_ref, w_ref, b_ref, out_ref):
        ppt = lax.dot_general(
            w_ref[0:pemb, :], ptab_ref[...], (((0,), (1,)), ((), ())),
            preferred_element_type=jnp.float32)
        oht = (pid_ref[...] == lax.broadcasted_iota(
            jnp.int32, (npred, blk), 0)).astype(jnp.float32)
        acc = jnp.dot(ppt, oht, preferred_element_type=jnp.float32)
        acc = acc + lax.dot_general(
            w_ref[pemb:pemb + dcc, :], cc_ref[...], (((0,), (1,)), ((), ())),
            preferred_element_type=jnp.float32)
        out_ref[...] = jnp.tanh(acc + b_ref[...])

    return pl.pallas_call(
        body,
        grid=(grid,),
        in_specs=[
            pl.BlockSpec((blk, dcc), lambda i: (i, 0)),
            pl.BlockSpec((1, blk), lambda i: (0, i)),
            pl.BlockSpec((npred, pemb), lambda i: (0, 0)),
            pl.BlockSpec(w.shape, lambda i: (0, 0)),
            pl.BlockSpec((dout, 1), lambda i: (0, 0)),
        ],
        out_specs=pl.BlockSpec((dout, blk), lambda i: (0, i)),
        out_shape=jax.ShapeDtypeStruct((dout, n), jnp.float32),
    )(cc, pid1, ptab, w, b2)


def kernel(x_domain, atom_constants, predicate_ids, constant_table,
           predicate_table, W_kge, b_kge):
    n_atoms = atom_constants.shape[0]
    tbl = constant_table
    ac_flat = atom_constants.astype(jnp.int32).reshape(-1)
    cc = _sc_gather(x_domain.astype(jnp.int32), ac_flat, tbl)
    cc = cc.reshape(n_atoms, -1)
    pid1 = predicate_ids.astype(jnp.int32).reshape(1, -1)
    out_t = _tc_kge(cc, pid1, predicate_table, W_kge, b_kge.reshape(-1, 1))
    return out_t.T

# --- scband reference (transcript-rebuilt; emitter-appended) ---
"""Pipeline reference for scband-collective-model-65206193487934 (READ-ONLY COPY).

The authoritative reference and input builder live on the scoring server;
editing this copy changes nothing except your own understanding.
"""

import jax, jax.numpy as jnp
import numpy as np

NUM_CONSTANTS_VOCAB = 1000000
NUM_QUERIED = 100000
N_ATOMS = 131072
N_PREDICATES = 64
C_EMB = 32
P_EMB = 32
ATOM_EMB = 64


def setup_inputs(seed: int = 0) -> dict:
    key = jax.random.key(seed)
    k1, k2, k3, k4, k5, k6 = jax.random.split(key, 6)
    x_domain = jax.random.randint(k1, (NUM_QUERIED,), 0, NUM_CONSTANTS_VOCAB, dtype=jnp.int64 if jax.config.jax_enable_x64 else jnp.int32)
    atom_constants = jax.random.randint(k2, (N_ATOMS, 2), 0, NUM_QUERIED, dtype=jnp.int64 if jax.config.jax_enable_x64 else jnp.int32)
    predicate_ids = jax.random.randint(k3, (N_ATOMS,), 0, N_PREDICATES, dtype=jnp.int64 if jax.config.jax_enable_x64 else jnp.int32)
    constant_table = jax.random.normal(k4, (NUM_CONSTANTS_VOCAB, C_EMB), dtype=jnp.float32) * 0.05
    predicate_table = jax.random.normal(k5, (N_PREDICATES, P_EMB), dtype=jnp.float32) * 0.05
    W_kge = jax.random.normal(k6, (P_EMB + 2 * C_EMB, ATOM_EMB), dtype=jnp.float32) * 0.02
    b_kge = jnp.zeros((ATOM_EMB,), dtype=jnp.float32)
    return {
        "x_domain": x_domain,
        "atom_constants": atom_constants,
        "predicate_ids": predicate_ids,
        "constant_table": constant_table,
        "predicate_table": predicate_table,
        "W_kge": W_kge,
        "b_kge": b_kge,
    }


def reference(x_domain, atom_constants, predicate_ids, constant_table, predicate_table, W_kge, b_kge):
    # ConstantEmbeddings: embed every queried constant index for the (single) domain
    # constant_embeddings[domain] = table[X_domains[domain]]
    constant_embeddings = jnp.take(constant_table, x_domain, axis=0)  # [NUM_QUERIED, C_EMB]

    # PredicateEmbeddings applied to predicate_index_tensor (all predicates)
    predicate_embeddings = predicate_table  # [N_PREDICATES, P_EMB]

    # create_triplets:
    # predicate embedding repeated per grounded atom (grouped tf.repeat + concat
    # over predicates == flat gather by per-atom predicate id)
    predicate_embeddings_per_triplets = jnp.take(predicate_embeddings, predicate_ids, axis=0)  # [N_ATOMS, P_EMB]

    # per-domain gather of constant embeddings for each atom position, then stack
    c0 = jnp.take(constant_embeddings, atom_constants[:, 0], axis=0)  # [N_ATOMS, C_EMB]
    c1 = jnp.take(constant_embeddings, atom_constants[:, 1], axis=0)  # [N_ATOMS, C_EMB]
    constant_embeddings_for_triplets = jnp.stack([c0, c1], axis=-2)  # [N_ATOMS, 2, C_EMB]

    # kge_embedder: combine predicate + constant embeddings into atom embedding
    n_atoms = constant_embeddings_for_triplets.shape[0]
    triplet = jnp.concatenate(
        [predicate_embeddings_per_triplets, constant_embeddings_for_triplets.reshape(n_atoms, -1)],
        axis=-1,
    )  # [N_ATOMS, P_EMB + 2*C_EMB]
    atom_embeddings = jnp.tanh(triplet @ W_kge + b_kge)  # [N_ATOMS, ATOM_EMB]
    return atom_embeddings

if __name__ == "__main__":
    import jax
    _d = setup_inputs()
    print(jax.jit(kernel)(*tuple(_d.values())))

</pallas_src>

<mosaic_0001>
#map = affine_map<(d0, d1) -> (0)>
#map1 = affine_map<(d0, d1) -> (0, 0)>
module attributes {stable_mosaic.version = 14 : i64} {
  func.func @k(%arg0: i32, %arg1: i32, %arg2: memref<100000xi32, #tpu.memory_space<hbm>>, %arg3: memref<262144xi32, #tpu.memory_space<hbm>>, %arg4: memref<1000000x32xf32, #tpu.memory_space<hbm>>, %arg5: memref<262144x32xf32, #tpu.memory_space<hbm>>, %arg6: memref<8192xi32, #tpu.memory_space<vmem>>, %arg7: memref<8192xi32, #tpu.memory_space<vmem>>, %arg8: memref<1024x32xf32, #tpu.memory_space<vmem>>, %arg9: memref<1024x32xf32, #tpu.memory_space<vmem>>, %arg10: memref<!tpu.dma_semaphore, #tpu.memory_space<semaphore_mem>>, %arg11: memref<!tpu.dma_semaphore, #tpu.memory_space<semaphore_mem>>) attributes {dimension_semantics = [#tpu.dimension_semantics<core_parallel>, #tpu.dimension_semantics<subcore_parallel>], iteration_bounds = array<i64: 2, 16>, scalar_prefetch = 0 : i64, scratch_operands = 6 : i64, tpu.core_type = #tpu.core_type<sc_vector_subcore>, window_params = [{transform_indices = #map}, {transform_indices = #map}, {transform_indices = #map1}, {transform_indices = #map1}]} {
    %mul3A = arith.constant 2 : i32
    %mul3A_0 = arith.muli %arg1, %mul3A : i32
    %add3A = arith.addi %mul3A_0, %arg0 : i32
    %mul3A_1 = arith.constant 8192 : i32
    %mul3A_2 = arith.muli %add3A, %mul3A_1 : i32
    "tpu.region"() ({
      %run_scoped3A = tpu.sem_alloc : memref<!tpu.dma_semaphore, #tpu.memory_space<semaphore_mem>>
      %dma_start3A_14 = tpu.memref_slice %arg3[%mul3A_2] : memref<262144xi32, #tpu.memory_space<hbm>> -> memref<8192xi32, #tpu.memory_space<hbm>>
      %dma_start3A_15 = tpu.memref_slice %arg3[%mul3A_2] : memref<262144xi32, #tpu.memory_space<hbm>> -> memref<8192xi32, #tpu.memory_space<hbm>>
      tpu.enqueue_dma source(%dma_start3A_15 : memref<8192xi32, #tpu.memory_space<hbm>>) target(%arg6 : memref<8192xi32, #tpu.memory_space<vmem>>) target_semaphore(%run_scoped3A : memref<!tpu.dma_semaphore, #tpu.memory_space<semaphore_mem>>)
      %dma_wait3A_16 = tpu.memref_slice %arg3[%mul3A_2] : memref<262144xi32, #tpu.memory_space<hbm>> -> memref<8192xi32, #tpu.memory_space<hbm>>
      %dma_wait3A_17 = tpu.memref_slice %arg3[%mul3A_2] : memref<262144xi32, #tpu.memory_space<hbm>> -> memref<8192xi32, #tpu.memory_space<hbm>>
      tpu.wait_dma2 semaphore(%run_scoped3A : memref<!tpu.dma_semaphore, #tpu.memory_space<semaphore_mem>>) src(%dma_wait3A_17 : memref<8192xi32, #tpu.memory_space<hbm>>) dst(%arg6 : memref<8192xi32, #tpu.memory_space<vmem>>)
      tpu.yield
    }) : () -> ()
    %dma_start3A = arith.constant 0 : i32
    %dma_start3A_3 = tpu.memref_slice %arg2[%dma_start3A] : memref<100000xi32, #tpu.memory_space<hbm>> -> memref<100000xi32, #tpu.memory_space<hbm>>
    tpu.enqueue_indirect_dma source(%dma_start3A_3 : memref<100000xi32, #tpu.memory_space<hbm>>) target(%arg7 : memref<8192xi32, #tpu.memory_space<vmem>>) offsets(%arg6 : memref<8192xi32, #tpu.memory_space<vmem>>) semaphore(%arg10 : memref<!tpu.dma_semaphore, #tpu.memory_space<semaphore_mem>>)
    %dma_wait3A = arith.constant 0 : i32
    %dma_wait3A_4 = tpu.memref_slice %arg2[%dma_wait3A] : memref<100000xi32, #tpu.memory_space<hbm>> -> memref<100000xi32, #tpu.memory_space<hbm>>
    tpu.wait_indirect_dma semaphore(%arg10 : memref<!tpu.dma_semaphore, #tpu.memory_space<semaphore_mem>>) src(%dma_wait3A_4 : memref<100000xi32, #tpu.memory_space<hbm>>) dst(%arg7 : memref<8192xi32, #tpu.memory_space<vmem>>)
    %dma_start3A_5 = arith.constant 0 : i32
    %dma_start3A_6 = tpu.memref_slice %arg7[%dma_start3A_5] : memref<8192xi32, #tpu.memory_space<vmem>> -> memref<1024xi32, #tpu.memory_space<vmem>>
    %dma_start3A_7 = arith.constant 0 : i32
    %dma_start3A_8 = arith.constant 0 : i32
    %dma_start3A_9 = tpu.memref_slice %arg4[%dma_start3A_7, %dma_start3A_8] : memref<1000000x32xf32, #tpu.memory_space<hbm>> -> memref<1000000x32xf32, #tpu.memory_space<hbm>>
    tpu.enqueue_indirect_dma source(%dma_start3A_9 : memref<1000000x32xf32, #tpu.memory_space<hbm>>) target(%arg8 : memref<1024x32xf32, #tpu.memory_space<vmem>>) offsets(%dma_start3A_6 : memref<1024xi32, #tpu.memory_space<vmem>>) semaphore(%arg10 : memref<!tpu.dma_semaphore, #tpu.memory_space<semaphore_mem>>)
    %scan3A = arith.constant 0 : i32
    %scan3A_10 = arith.constant 4 : i32
    %scan3A_11 = arith.addi %scan3A, %scan3A_10 : i32
    %scan3A_12 = arith.constant 1 : i32
    scf.for %scan3A_14 = %scan3A to %scan3A_11 step %scan3A_12  : i32 {
      %mul3A_15 = arith.constant 1 : i32
      %mul3A_16 = arith.muli %scan3A_14, %mul3A_15 : i32
      %add3A_17 = arith.constant 0 : i32
      %add3A_18 = arith.addi %add3A_17, %mul3A_16 : i32
      %mul3A_19 = arith.constant 2 : i32
      %mul3A_20 = arith.muli %add3A_18, %mul3A_19 : i32
      %add3A_21 = arith.constant 1 : i32
      %add3A_22 = arith.addi %mul3A_20, %add3A_21 : i32
      %mul3A_23 = arith.constant 1024 : i32
      %mul3A_24 = arith.muli %add3A_22, %mul3A_23 : i32
      %dma_start3A_25 = tpu.memref_slice %arg7[%mul3A_24] : memref<8192xi32, #tpu.memory_space<vmem>> -> memref<1024xi32, #tpu.memory_space<vmem>>
      %dma_start3A_26 = arith.constant 0 : i32
      %dma_start3A_27 = arith.constant 0 : i32
      %dma_start3A_28 = tpu.memref_slice %arg4[%dma_start3A_26, %dma_start3A_27] : memref<1000000x32xf32, #tpu.memory_space<hbm>> -> memref<1000000x32xf32, #tpu.memory_space<hbm>>
      tpu.enqueue_indirect_dma source(%dma_start3A_28 : memref<1000000x32xf32, #tpu.memory_space<hbm>>) target(%arg9 : memref<1024x32xf32, #tpu.memory_space<vmem>>) offsets(%dma_start3A_25 : memref<1024xi32, #tpu.memory_space<vmem>>) semaphore(%arg11 : memref<!tpu.dma_semaphore, #tpu.memory_space<semaphore_mem>>)
      %mul3A_29 = arith.constant 1024 : i32
      %mul3A_30 = arith.muli %mul3A_20, %mul3A_29 : i32
      %dma_wait3A_31 = tpu.memref_slice %arg7[%mul3A_30] : memref<8192xi32, #tpu.memory_space<vmem>> -> memref<1024xi32, #tpu.memory_space<vmem>>
      %dma_wait3A_32 = arith.constant 0 : i32
      %dma_wait3A_33 = arith.constant 0 : i32
      %dma_wait3A_34 = tpu.memref_slice %arg4[%dma_wait3A_32, %dma_wait3A_33] : memref<1000000x32xf32, #tpu.memory_space<hbm>> -> memref<1000000x32xf32, #tpu.memory_space<hbm>>
      tpu.wait_indirect_dma semaphore(%arg10 : memref<!tpu.dma_semaphore, #tpu.memory_space<semaphore_mem>>) src(%dma_wait3A_34 : memref<1000000x32xf32, #tpu.memory_space<hbm>>) dst(%arg8 : memref<1024x32xf32, #tpu.memory_space<vmem>>)
      %mul3A_35 = arith.constant 1024 : i32
      %mul3A_36 = arith.muli %mul3A_20, %mul3A_35 : i32
      %add3A_37 = arith.addi %mul3A_2, %mul3A_36 : i32
      "tpu.region"() ({
        %run_scoped3A = tpu.sem_alloc : memref<!tpu.dma_semaphore, #tpu.memory_space<semaphore_mem>>
        %dma_start3A_55 = arith.constant 0 : i32
        %dma_start3A_56 = tpu.memref_slice %arg5[%add3A_37, %dma_start3A_55] : memref<262144x32xf32, #tpu.memory_space<hbm>> -> memref<1024x32xf32, #tpu.memory_space<hbm>>
        %dma_start3A_57 = arith.constant 0 : i32
        %dma_start3A_58 = tpu.memref_slice %arg5[%add3A_37, %dma_start3A_57] : memref<262144x32xf32, #tpu.memory_space<hbm>> -> memref<1024x32xf32, #tpu.memory_space<hbm>>
        tpu.enqueue_dma source(%arg8 : memref<1024x32xf32, #tpu.memory_space<vmem>>) target(%dma_start3A_58 : memref<1024x32xf32, #tpu.memory_space<hbm>>) target_semaphore(%run_scoped3A : memref<!tpu.dma_semaphore, #tpu.memory_space<semaphore_mem>>)
        %dma_wait3A_59 = arith.constant 0 : i32
        %dma_wait3A_60 = tpu.memref_slice %arg5[%add3A_37, %dma_wait3A_59] : memref<262144x32xf32, #tpu.memory_space<hbm>> -> memref<1024x32xf32, #tpu.memory_space<hbm>>
        %dma_wait3A_61 = arith.constant 0 : i32
        %dma_wait3A_62 = tpu.memref_slice %arg5[%add3A_37, %dma_wait3A_61] : memref<262144x32xf32, #tpu.memory_space<hbm>> -> memref<1024x32xf32, #tpu.memory_space<hbm>>
        tpu.wait_dma2 semaphore(%run_scoped3A : memref<!tpu.dma_semaphore, #tpu.memory_space<semaphore_mem>>) src(%arg8 : memref<1024x32xf32, #tpu.memory_space<vmem>>) dst(%dma_wait3A_62 : memref<1024x32xf32, #tpu.memory_space<hbm>>)
        tpu.yield
      }) : () -> ()
      %add3A_38 = arith.constant 2 : i32
      %add3A_39 = arith.addi %mul3A_20, %add3A_38 : i32
      %lt3A = arith.constant 8 : i32
      %lt3A_40 = arith.cmpi slt, %add3A_39, %lt3A : i32
      %convert_element_type3A = arith.extui %lt3A_40 : i1 to i32
      %cond3A = arith.constant 0 : i32
      %cond3A_41 = arith.cmpi ne, %convert_element_type3A, %cond3A : i32
      scf.if %cond3A_41 {
        %add3A_55 = arith.constant 2 : i32
        %add3A_56 = arith.addi %mul3A_20, %add3A_55 : i32
        %mul3A_57 = arith.constant 1024 : i32
        %mul3A_58 = arith.muli %add3A_56, %mul3A_57 : i32
        %dma_start3A_59 = tpu.memref_slice %arg7[%mul3A_58] : memref<8192xi32, #tpu.memory_space<vmem>> -> memref<1024xi32, #tpu.memory_space<vmem>>
        %dma_start3A_60 = arith.constant 0 : i32
        %dma_start3A_61 = arith.constant 0 : i32
        %dma_start3A_62 = tpu.memref_slice %arg4[%dma_start3A_60, %dma_start3A_61] : memref<1000000x32xf32, #tpu.memory_space<hbm>> -> memref<1000000x32xf32, #tpu.memory_space<hbm>>
        tpu.enqueue_indirect_dma source(%dma_start3A_62 : memref<1000000x32xf32, #tpu.memory_space<hbm>>) target(%arg8 : memref<1024x32xf32, #tpu.memory_space<vmem>>) offsets(%dma_start3A_59 : memref<1024xi32, #tpu.memory_space<vmem>>) semaphore(%arg10 : memref<!tpu.dma_semaphore, #tpu.memory_space<semaphore_mem>>)
      } else {
      }
      %add3A_42 = arith.constant 1 : i32
      %add3A_43 = arith.addi %mul3A_20, %add3A_42 : i32
      %mul3A_44 = arith.constant 1024 : i32
      %mul3A_45 = arith.muli %add3A_43, %mul3A_44 : i32
      %dma_wait3A_46 = tpu.memref_slice %arg7[%mul3A_45] : memref<8192xi32, #tpu.memory_space<vmem>> -> memref<1024xi32, #tpu.memory_space<vmem>>
      %dma_wait3A_47 = arith.constant 0 : i32
      %dma_wait3A_48 = arith.constant 0 : i32
      %dma_wait3A_49 = tpu.memref_slice %arg4[%dma_wait3A_47, %dma_wait3A_48] : memref<1000000x32xf32, #tpu.memory_space<hbm>> -> memref<1000000x32xf32, #tpu.memory_space<hbm>>
      tpu.wait_indirect_dma semaphore(%arg11 : memref<!tpu.dma_semaphore, #tpu.memory_space<semaphore_mem>>) src(%dma_wait3A_49 : memref<1000000x32xf32, #tpu.memory_space<hbm>>) dst(%arg9 : memref<1024x32xf32, #tpu.memory_space<vmem>>)
      %add3A_50 = arith.constant 1 : i32
      %add3A_51 = arith.addi %mul3A_20, %add3A_50 : i32
      %mul3A_52 = arith.constant 1024 : i32
      %mul3A_53 = arith.muli %add3A_51, %mul3A_52 : i32
      %add3A_54 = arith.addi %mul3A_2, %mul3A_53 : i32
      "tpu.region"() ({
        %run_scoped3A = tpu.sem_alloc : memref<!tpu.dma_semaphore, #tpu.memory_space<semaphore_mem>>
        %dma_start3A_55 = arith.constant 0 : i32
        %dma_start3A_56 = tpu.memref_slice %arg5[%add3A_54, %dma_start3A_55] : memref<262144x32xf32, #tpu.memory_space<hbm>> -> memref<1024x32xf32, #tpu.memory_space<hbm>>
        %dma_start3A_57 = arith.constant 0 : i32
        %dma_start3A_58 = tpu.memref_slice %arg5[%add3A_54, %dma_start3A_57] : memref<262144x32xf32, #tpu.memory_space<hbm>> -> memref<1024x32xf32, #tpu.memory_space<hbm>>
        tpu.enqueue_dma source(%arg9 : memref<1024x32xf32, #tpu.memory_space<vmem>>) target(%dma_start3A_58 : memref<1024x32xf32, #tpu.memory_space<hbm>>) target_semaphore(%run_scoped3A : memref<!tpu.dma_semaphore, #tpu.memory_space<semaphore_mem>>)
        %dma_wait3A_59 = arith.constant 0 : i32
        %dma_wait3A_60 = tpu.memref_slice %arg5[%add3A_54, %dma_wait3A_59] : memref<262144x32xf32, #tpu.memory_space<hbm>> -> memref<1024x32xf32, #tpu.memory_space<hbm>>
        %dma_wait3A_61 = arith.constant 0 : i32
        %dma_wait3A_62 = tpu.memref_slice %arg5[%add3A_54, %dma_wait3A_61] : memref<262144x32xf32, #tpu.memory_space<hbm>> -> memref<1024x32xf32, #tpu.memory_space<hbm>>
        tpu.wait_dma2 semaphore(%run_scoped3A : memref<!tpu.dma_semaphore, #tpu.memory_space<semaphore_mem>>) src(%arg9 : memref<1024x32xf32, #tpu.memory_space<vmem>>) dst(%dma_wait3A_62 : memref<1024x32xf32, #tpu.memory_space<hbm>>)
        tpu.yield
      }) : () -> ()
    }
    %scan3A_13 = arith.constant 4 : i32
    return
  }
}

module attributes {stable_mosaic.version = 14 : i64} {
  func.func @body(%arg0: i32, %arg1: memref<8192x64xf32, #tpu.memory_space<vmem>>, %arg2: memref<1x8192xi32, #tpu.memory_space<vmem>>, %arg3: memref<64x32xf32, #tpu.memory_space<vmem>>, %arg4: memref<96x64xf32, #tpu.memory_space<vmem>>, %arg5: memref<64x1xf32, #tpu.memory_space<vmem>>, %arg6: memref<64x8192xf32, #tpu.memory_space<vmem>>) attributes {dimension_semantics = [#tpu.dimension_semantics<arbitrary>], iteration_bounds = array<i64: 16>, scalar_prefetch = 0 : i64, scratch_operands = 0 : i64, tpu.core_type = #tpu.core_type<tc>, window_params = [{transform_indices = @transform_0, window_bounds = array<i64: 8192, 64>}, {transform_indices = @transform_1, window_bounds = array<i64: 1, 8192>}, {pipeline_mode = #tpu.pipeline_mode<synchronous>, transform_indices = @transform_2, window_bounds = array<i64: 64, 32>}, {pipeline_mode = #tpu.pipeline_mode<synchronous>, transform_indices = @transform_3, window_bounds = array<i64: 96, 64>}, {pipeline_mode = #tpu.pipeline_mode<synchronous>, transform_indices = @transform_4, window_bounds = array<i64: 64, 1>}, {transform_indices = @transform_5, window_bounds = array<i64: 64, 8192>}]} {
    %get3A = arith.constant 0 : index
    %get3A_0 = arith.constant 0 : index
    %get3A_1 = vector.load %arg4[%get3A, %get3A_0] : memref<96x64xf32, #tpu.memory_space<vmem>>, vector<32x64xf32>
    %get3A_2 = arith.constant 0 : index
    %get3A_3 = arith.constant 0 : index
    %get3A_4 = vector.load %arg3[%get3A_2, %get3A_3] : memref<64x32xf32, #tpu.memory_space<vmem>>, vector<64x32xf32>
    %dot_general3A = arith.constant dense<0.000000e+00> : vector<64x64xf32>
    %dot_general3A_5 = tpu.matmul %get3A_1, %get3A_4, %dot_general3A {dimension_numbers = #tpu.dot_dimension_numbers<[0], [1], [1], [0], [0, 1, 1, 0], [], []>, transpose_lhs_hint = false} : vector<32x64xf32>, vector<64x32xf32>, vector<64x64xf32> -> vector<64x64xf32>
    %get3A_6 = arith.constant 0 : index
    %get3A_7 = arith.constant 0 : index
    %get3A_8 = vector.load %arg2[%get3A_6, %get3A_7] : memref<1x8192xi32, #tpu.memory_space<vmem>>, vector<1x8192xi32>
    %iota3A = tpu.iota {dimensions = array<i32: 0>} : vector<64x8192xi32>
    %eq3A = vector.broadcast %get3A_8 : vector<1x8192xi32> to vector<64x8192xi32>
    %eq3A_9 = arith.cmpi eq, %eq3A, %iota3A : vector<64x8192xi32>
    %convert_element_type3A = arith.extui %eq3A_9 : vector<64x8192xi1> to vector<64x8192xi32>
    %convert_element_type3A_10 = arith.sitofp %convert_element_type3A : vector<64x8192xi32> to vector<64x8192xf32>
    %dot_general3A_11 = arith.constant dense<0.000000e+00> : vector<64x8192xf32>
    %dot_general3A_12 = tpu.matmul %dot_general3A_5, %convert_element_type3A_10, %dot_general3A_11 {dimension_numbers = #tpu.dot_dimension_numbers<[1], [0], [0], [1], [0, 0, 1, 1], [], []>, transpose_lhs_hint = false} : vector<64x64xf32>, vector<64x8192xf32>, vector<64x8192xf32> -> vector<64x8192xf32>
    %get3A_13 = arith.constant 32 : index
    %get3A_14 = arith.constant 0 : index
    %get3A_15 = vector.load %arg4[%get3A_13, %get3A_14] : memref<96x64xf32, #tpu.memory_space<vmem>>, vector<64x64xf32>
    %get3A_16 = arith.constant 0 : index
    %get3A_17 = arith.constant 0 : index
    %get3A_18 = vector.load %arg1[%get3A_16, %get3A_17] : memref<8192x64xf32, #tpu.memory_space<vmem>>, vector<8192x64xf32>
    %dot_general3A_19 = arith.constant dense<0.000000e+00> : vector<64x8192xf32>
    %dot_general3A_20 = tpu.matmul %get3A_15, %get3A_18, %dot_general3A_19 {dimension_numbers = #tpu.dot_dimension_numbers<[0], [1], [1], [0], [0, 1, 1, 0], [], []>, transpose_lhs_hint = false} : vector<64x64xf32>, vector<8192x64xf32>, vector<64x8192xf32> -> vector<64x8192xf32>
    %add3A = arith.addf %dot_general3A_12, %dot_general3A_20 : vector<64x8192xf32>
    %get3A_21 = arith.constant 0 : index
    %get3A_22 = arith.constant 0 : index
    %get3A_23 = vector.load %arg5[%get3A_21, %get3A_22] : memref<64x1xf32, #tpu.memory_space<vmem>>, vector<64x1xf32>
    %add3A_24 = vector.broadcast %get3A_23 : vector<64x1xf32> to vector<64x8192xf32>
    %add3A_25 = arith.addf %add3A, %add3A_24 : vector<64x8192xf32>
    %tanh3A = math.tanh %add3A_25 : vector<64x8192xf32>
    %swap3A = arith.constant 0 : index
    %swap3A_26 = arith.constant 0 : index
    %swap3A_27 = vector.load %arg6[%swap3A, %swap3A_26] : memref<64x8192xf32, #tpu.memory_space<vmem>>, vector<64x8192xf32>
    tpu.vector_store %arg6[%swap3A, %swap3A_26], %tanh3A {strides = array<i32>} : memref<64x8192xf32, #tpu.memory_space<vmem>>, vector<64x8192xf32>,
    return
  }
  func.func @transform_0(%arg0: i32) -> (i32, i32) {
    %c0_i32 = arith.constant 0 : i32
    %c0_i32_0 = arith.constant 0 : i32
    return %arg0, %c0_i32 : i32, i32
  }
  func.func @transform_1(%arg0: i32) -> (i32, i32) {
    %c0_i32 = arith.constant 0 : i32
    %c0_i32_0 = arith.constant 0 : i32
    return %c0_i32, %arg0 : i32, i32
  }
  func.func @transform_2(%arg0: i32) -> (i32, i32) {
    %c0_i32 = arith.constant 0 : i32
    %c0_i32_0 = arith.constant 0 : i32
    %c0_i32_1 = arith.constant 0 : i32
    return %c0_i32, %c0_i32_0 : i32, i32
  }
  func.func @transform_3(%arg0: i32) -> (i32, i32) {
    %c0_i32 = arith.constant 0 : i32
    %c0_i32_0 = arith.constant 0 : i32
    %c0_i32_1 = arith.constant 0 : i32
    return %c0_i32, %c0_i32_0 : i32, i32
  }
  func.func @transform_4(%arg0: i32) -> (i32, i32) {
    %c0_i32 = arith.constant 0 : i32
    %c0_i32_0 = arith.constant 0 : i32
    %c0_i32_1 = arith.constant 0 : i32
    return %c0_i32, %c0_i32_0 : i32, i32
  }
  func.func @transform_5(%arg0: i32) -> (i32, i32) {
    %c0_i32 = arith.constant 0 : i32
    %c0_i32_0 = arith.constant 0 : i32
    return %c0_i32, %arg0 : i32, i32
  }
}

</mosaic_0001>

<sc_bundles>
// kernel: kernel.4.cloned.1.call-start
scs
__scs_entry_jumppad:
0x0: {  	(pc) =	sbr.rel $0x88, $3  }
0x1: {  	(tag) =	ssettag $0x0;
	lr =	simm.s32 $0x1  }
0x2: {  	[smem:$0x3F9A] =	sst lr;
	_ =	strace $0xD0000000  }
0x3: {  	_ = 	snop  }
0x4: {  	_ = 	snop  }
0x5: {  	_ = 	snop  }
0x6: {  	_ = 	snop  }
0x7: {  	_ = 	snop  }
__scs_overlays_trampoline_lowered:
0x8: {  	[smem:$0x3FA9] =	sst s0  }
0x9: {  	[smem:$0x3FAA] =	sst s1  }
0xa: {  	[smem:$0x3FAB] =	sst s2  }
0xb: {  	[smem:$0x3FAC] =	sst s3  }
0xc: {  	[smem:$0x3FAD] =	sst s4  }
0xd: {  	[smem:$0x3FAE] =	sst s5  }
0xe: {  	[smem:$0x3FAF] =	sst s6  }
0xf: {  	[smem:$0x3FB0] =	sst s7  }
0x10: {  	[smem:$0x3FB1] =	sst s8  }
0x11: {  	[smem:$0x3FB2] =	sst s9;
	s0 =	simm.s32 @!p0 $0x0  }
0x12: {  	s1 =	sld [smem:$0x3F98];
	s0 =	simm.s32 @p0 $0x1  }
0x13: {  	[smem:$0x3FB3] =	sst s0;
	s0 =	simm.s32 @!p1 $0x0  }
0x14: {  	s2 =	sld [smem:$0x3F97];
	s0 =	simm.s32 @p1 $0x1  }
0x15: {  	[smem:$0x3FB4] =	sst s0;
	s0 =	simm.s32 @!p2 $0x0  }
0x16: {  	s3 =	sld [smem:$0x3FDB];
	s0 =	simm.s32 @p2 $0x1  }
0x17: {  	s4 =	simm.s32 $0x1BF5;
	[smem:$0x3FB6] =	sst s0  }
0x18: {  	s0 =	sld [smem:$0x3F99];
	_ =	swait.ge [sflag:s4], $0x0  }
0x19: {  	s7 =	sld [smem:$0x3F9A]  }
0x1a: {  	s8 =	sadd.s32 $0xFFFFE003, lr  }
0x1b: {  	s9 =	sadd.s32 $0xFFFFFEF7, lr;
	s5 =	simm.s32 $0xFFFFFFFF;
	p2 =	slt.u32 s8, $0xFFFFF086  }
0x1c: {  	p1 =	slt.u32 s9, $0xF7A;
	s5 =	simm.s32 @!p2 $0x0  }
0x1d: {  	s5 =	simm.s32 @p1 $0x1;
	p0 =	seq.s32 s7, s2  }
0x1e: {  	s7 =	smul.u32 @!p0 $0xF7A, s2;
	p2 =	seq.s32 @!p0 s5, $0x0  }
0x1f: {  	s9 =	smul.u32 $0xF7A, s1;
	s8 =	simm.s32 @!p0 $0x1BF5;
	p2 =	por !p2, p0  }
0x20: {  	[sflag:s8] =	ssyncset.s32 @!p0 $0xFFFFF086;
	s6 =	sadd.s32 @!p0 s3, s7;
	s7 =	simm.s32 @!p0 $0x108  }
0x21: {  	s3 =	sadd.s32 s3, s9;
	s6 =	sadd.s32 @!p0 $0x88, s6;
	s7 =	simm.s32 @p2 $0x1082  }
0x22: {  	[simem:s7], [sflag:s8] =	dma.local @!p0 [hbm:s6], $0xF7A  }
0x23: {  	s9 =	sor.u32 $0xD0000000, s2;
	s6 =	simm.s32 $0x108;
	_ =	swait.ge @!p0 [sflag:s8], $0x0  }
0x24: {  	s3 =	sadd.s32 $0x88, s3;
	s6 =	simm.s32 @!p1 $0x1082;
	[sflag:s4] =	ssyncset.s32 $0xFFFFF086  }
0x25: {  	[simem:s6], [sflag:s4] =	dma.local [hbm:s3], $0xF7A  }
0x26: {  	[smem:$0x3F9A] =	sst s1;
	(tag) =	ssettag s2;
	_ =	strace s9  }
0x27: {  	s1 =	sld [smem:$0x3FAA]  }
0x28: {  	s2 =	sld [smem:$0x3FAB]  }
0x29: {  	s4 =	sld [smem:$0x3FAD]  }
0x2a: {  	p0 =	seq.s32 s5, $0x0;
	s5 =	sld [smem:$0x3FAE]  }
0x2b: {  	s6 =	sld [smem:$0x3FAF]  }
0x2c: {  	s7 =	sld [smem:$0x3FB0]  }
0x2d: {  	s3 =	simm.s32 $0x108;
	s8 =	sld [smem:$0x3FB1]  }
0x2e: {  	s3 =	simm.s32 @!p0 $0x1082;
	s9 =	sld [smem:$0x3FB2]  }
0x2f: {  	lr =	sadd.s32 s0, s3;
	s0 =	sld [smem:$0x3FA9]  }
0x30: {  	s3 =	sld [smem:$0x3FAC]  }
0x31: {  	[smem:$0x3FB5] =	sst s10  }
0x32: {  	s10 =	sld [smem:$0x3FB3];
	_ =	sdelay $0x3  }
0x33: {  	p0 =	seq.s32 s10, $0x1;
	s10 =	sld [smem:$0x3FB5];
	_ =	sdelay $0x3  }
0x34: {  	[smem:$0x3FB5] =	sst s10  }
0x35: {  	s10 =	sld [smem:$0x3FB4];
	_ =	sdelay $0x3  }
0x36: {  	p1 =	seq.s32 s10, $0x1;
	s10 =	sld [smem:$0x3FB5];
	_ =	sdelay $0x3  }
0x37: {  	[smem:$0x3FB5] =	sst s10  }
0x38: {  	s10 =	sld [smem:$0x3FB6]  }
0x39: {  	_ = 	snop;
	(pc) =	sbr.ind lr, $3  }
0x3a: {  	_ = 	snop  }
0x3b: {  	_ = 	snop  }
0x3c: {  	p2 =	seq.s32 s10, $0x1;
	s10 =	sld [smem:$0x3FB5]  }
0x3d: {  	_ =	shalt  }
0x3e: {  	_ =	shalt  }
0x3f: {  	_ =	shalt  }
0x40: {  	_ =	shalt  }
0x41: {  	_ =	shalt  }
0x42: {  	_ =	shalt  }
0x43: {  	_ =	shalt  }
0x44: {  	_ =	shalt  }
0x45: {  	_ =	shalt  }
0x46: {  	_ =	shalt  }
0x47: {  	_ =	shalt  }
0x48: {  	_ =	shalt  }
0x49: {  	_ =	shalt  }
0x4a: {  	_ =	shalt  }
0x4b: {  	_ =	shalt  }
0x4c: {  	_ =	shalt  }
0x4d: {  	_ =	shalt  }
0x4e: {  	_ =	shalt  }
0x4f: {  	_ =	shalt  }
0x50: {  	_ =	shalt  }
0x51: {  	_ =	shalt  }
0x52: {  	_ =	shalt  }
0x53: {  	_ =	shalt  }
0x54: {  	_ =	shalt  }
0x55: {  	_ =	shalt  }
0x56: {  	_ =	shalt  }
0x57: {  	_ =	shalt  }
0x58: {  	_ =	shalt  }
0x59: {  	_ =	shalt  }
0x5a: {  	_ =	shalt  }
0x5b: {  	_ =	shalt  }
0x5c: {  	_ =	shalt  }
0x5d: {  	_ =	shalt  }
0x5e: {  	_ =	shalt  }
0x5f: {  	_ =	shalt  }
0x60: {  	_ =	shalt  }
0x61: {  	_ =	shalt  }
0x62: {  	_ =	shalt  }
0x63: {  	_ =	shalt  }
0x64: {  	_ =	shalt  }
0x65: {  	_ =	shalt  }
0x66: {  	_ =	shalt  }
0x67: {  	_ =	shalt  }
0x68: {  	_ =	shalt  }
0x69: {  	_ =	shalt  }
0x6a: {  	_ =	shalt  }
0x6b: {  	_ =	shalt  }
0x6c: {  	_ =	shalt  }
0x6d: {  	_ =	shalt  }
0x6e: {  	_ =	shalt  }
0x6f: {  	_ =	shalt  }
0x70: {  	_ =	shalt  }
0x71: {  	_ =	shalt  }
0x72: {  	_ =	shalt  }
0x73: {  	_ =	shalt  }
0x74: {  	_ =	shalt  }
0x75: {  	_ =	shalt  }
0x76: {  	_ =	shalt  }
0x77: {  	_ =	shalt  }
0x78: {  	_ =	shalt  }
0x79: {  	_ =	shalt  }
0x7a: {  	_ =	shalt  }
0x7b: {  	_ =	shalt  }
0x7c: {  	_ =	shalt  }
0x7d: {  	_ =	shalt  }
0x7e: {  	_ =	shalt  }
0x7f: {  	_ =	shalt  }
0x80: {  	_ =	shalt  }
0x81: {  	_ =	shalt  }
0x82: {  	_ =	shalt  }
0x83: {  	_ =	shalt  }
0x84: {  	_ =	shalt  }
0x85: {  	_ =	shalt  }
0x86: {  	_ =	shalt  }
0x87: {  	_ =	shalt  }
.Lfunc_end0:
.L_simem_size_0:
called_computation_lowered:
.L_overlay_start_0:
0x88: {  	s2 =	sld [smem:$0x3FD9]  }
0x89: {  	s3 =	sld [smem:$0x3FFE];
	_ =	sdelay $0x1  }
0x8a: {  	s1 =	srdreg.scid  }
0x8b: {  	s0 =	sand.u32 $0x1, s1  }
0x8c: {  	s17 =	sshll.u32 s0, $0xA;
	s2 =	sadd.s32 s3, s2  }
0x8d: {  	s2 =	sadd.s32 s2, s17  }
0x8e: {  	[smem:$0x3FC1] =	sst s2  }
0x8f: {  	_ = 	snop  }
0x90: {  	s2 =	sld [smem:$0x3FC9]  }
0x91: {  	s18 =	sld [smem:$0x3FD0];
	(tm) =	ssettm $0x1  }
0x92: {  	s4 =	sld [smem:$0x3FFB];
	_ =	sdelay $0x3  }
0x93: {  	_ =	strace s4  }
0x94: {  	s4 =	sld [smem:$0x3FFC];
	_ =	sdelay $0x3  }
0x95: {  	_ =	strace s4  }
0x96: {  	s4 =	sld [smem:$0x3FFD];
	_ =	sdelay $0x3  }
0x97: {  	_ =	strace s4  }
0x98: {  	_ =	strace $0x8FFFFFFF  }
0x99: {  	s19 =	sld [smem:$0x3FDB];
	_ =	sdelay $0x1  }
0x9a: {  	s5 =	simm.s32 $_scs_section_size  }
0x9b: {  	s6 =	simm.s32 $_size__tile_overlayer_lowered;
	s7 =	simm.s32 $_tile_overlayer_lowered  }
0x9c: {  	s22 =	simm.s32 $0x1BFF;
	s21 =	sshll.u32 s7, $0x1;
	s4 =	sadd.s32 s5, s19  }
0x9d: {  	s8 =	simm.s32 $0x0;
	s20 =	sshll.u32 s6, $0x1;
	s6 =	sadd.s32 s21, s4  }
0x9e: {  	[timem:s8], [sflag:s22] =	dma.local [hbm:s6], s20  }
0x9f: {  	_ =	swait.ge [sflag:s22], s20  }
0xa0: {  	s5 =	ssub.s32 $0x0, s20;
	[sflag:s22] =	ssyncset.done $0x0  }
0xa1: {  	[sflag:s22] =	ssyncadd.s32 s5;
	_ =	sdelay $0x1  }
0xa2: {  	s23 =	simm.s32 $0x1B8B  }
0xa3: {  	_ =	swait.ge [sflag:s23], $0x1  }
0xa4: {  	[sflag:s23] =	ssyncset.done $0x0  }
0xa5: {  	s25 =	simm.s32 $0x1B8E;
	s24 =	sld [smem:$0x3FFE];
	[sflag:s23] =	ssyncadd.s32 $0xFFFFFFFF  }
0xa6: {  	s26 =	simm.s32 $execute0_lowered;
	[smem:$0x3FD2] =	sst s25  }
0xa7: {  	s6 =	sshll.u32 s26, $0x1;
	_ =	strace $0x80000046;
	[dreg:$0x1] =	wrdreg $0xFFFFFFFF  }
0xa8: {  	s28 =	simm.s32 $_size_execute0_lowered;
	s4 =	sadd.s32 s4, s6;
	[dreg:$0x0] =	wrdreg $0x0  }
0xa9: {  	s6 =	sshll.u32 s28, $0x1;
	[dreg:$0x2] =	wrdreg s4  }
0xaa: {  	[dreg:$0x3] =	wrdreg s6  }
0xab: {  	[dreg:$0x4] =	wrdreg $0xC0  }
0xac: {  	_ =	task [dreg:s8], $0x5FFFF  }
0xad: {  	[dreg:$0x1] =	wrdreg $0xFFFFFFFF  }
0xae: {  	[dreg:$0x0] =	wrdreg $0x60  }
0xaf: {  	[dreg:$0x2] =	wrdreg s2  }
0xb0: {  	[dreg:$0x3] =	wrdreg s24  }
0xb1: {  	[dreg:$0x4] =	wrdreg s18  }
0xb2: {  	[dreg:$0x5] =	wrdreg $0x9  }
0xb3: {  	_ =	task.clear_ibuf [dreg:s8], $0x6FFFF;
	_ =	strace $0x90000046  }
0xb4: {  	s29 =	simm.s32 $0x9;
	_ =	strace $0x80000048  }
0xb5: {  	_ =	swait.ge [sflag:s29], $0x1  }
0xb6: {  	[sflag:s29] =	ssyncadd.s32 $0xFFFFFFFF  }
0xb7: {  	_ =	strace $0x90000048  }
0xb8: {  	_ =	sfence  }
0xb9: {  	s30 =	sld [smem:$0x0];
	_ =	sdelay $0x2  }
0xba: {  	s31 =	sshll.u32 s1, $0xD;
	s1 =	sshrl.u32 s1, $0x2  }
0xbb: {  	s3 =	sand.u32 $0x4000, s31;
	s1 =	sadd.s32 s1, s30  }
0xbc: {  	s0 =	sor.u32 s3, s0;
	s1 =	sshll.u32 s1, $0x11  }
0xbd: {  	s0 =	sor.u32 s1, s0  }
0xbe: {  	s0 =	sadd.s32 $0x8F2B, s0  }
0xbf: {  	[sflag:s0] =	ssyncadd.remote.s32 $0x1  }
0xc0: {  	_ =	sfence.sel $0xFFFF  }
0xc1: {  	[dreg:$0x0] =	wrdreg $0xFFFFFFFF;
	(pc) =	sbr.abs _section_cstart, $3  }
0xc2: {  	[dreg:$0x1] =	wrdreg $0xFFFFFFFF  }
0xc3: {  	_ =	task.clear_ibuf [dreg:s8], $0x2FFFF;
	_ =	strace $0x9FFFFFFF  }
0xc4: {  	(tm) =	ssettm $0x7FFFFFFF  }
0xc5: {  	_ =	shalt  }
tec
execute0_lowered:
.L_overlay_start_1:
0x0: {  	(tag) =	ssettag $0x1  }
0x1: {  	s2 =	srdreg.scid  }
0x2: {  	s1 =	rddreg [dreg:$0x0];
	s0 =	stileid.u32;
	s28 =	sand.u32 $0x1, s2  }
0x3: {  	s8 =	rddreg [dreg:$0x1];
	s31 =	sshll.u32 s0, $0xE;
	s3 =	sshll.u32 s28, $0xD  }
0x4: {  	s13 =	rddreg [dreg:$0x2];
	s14 =	sor.u32 s3, s31  }
0x5: {  	s2 =	rddreg [dreg:$0x3];
	s3 =	simm.s32 $0x0;
	s4 =	sshrl.u32 s14, $0x3  }
0x6: {  	[smem:$0x7FF] =	sst s3;
	s4 =	sadd.s32 s4, s8  }
0x7: {  	_ =	strace $0x80000047;
	s5 =	sadd.s32 $0x200E00, s4;
	s4 =	simm.s32 $0x3  }
0x8: {  	[tilespmem:s3], [sflag:$0x3] =	stream.linear.gather [hbm4b:s5+s3], $0x2000, $0x38;
	[tilespmem:$0x14000] =	vst v63  }
0x9: {  	_ =	swait.ge [sflag:s4], $0x2000  }
0xa: {  	[sflag:s4] =	ssyncset.done $0x0  }
0xb: {  	s6 =	simm.s32 $0x2000;
	s7 =	simm.s32 $0x1;
	[sflag:s4] =	ssyncadd.s32 $0xFFFFE000  }
0xc: {  	[tilespmem:s6], [sflag:$0x1] =	stream.indirect.gather [hbm4b:s1+s6], $0x1, s3, s6, $0xb8;
	[tilespmem:$0x14000] =	vst v63  }
0xd: {  	_ =	swait.ge [sflag:s7], $0x2000  }
0xe: {  	s9 =	simm.s32 $0x400;
	[sflag:s7] =	ssyncset.done $0x0  }
0xf: {  	s10 =	simm.s32 $0x4000;
	s8 =	sadd.s32 $0xF43200, s8;
	[sflag:s7] =	ssyncadd.s32 $0xFFFFE000  }
0x10: {  	[tilespmem:s10], [sflag:$0x1] =	stream.indirect.gather [hbm4b:s8+s9], $0x20, s6, s9, $0xb8;
	[tilespmem:$0x14000] =	vst v63  }
0x11: {  	s11 =	simm.s32 $0x2400;
	s12 =	simm.s32 $0xC000  }
0x12: {  	[tilespmem:s12], [sflag:$0x2] =	stream.indirect.gather [hbm4b:s8+s9], $0x20, s11, s9, $0xb8;
	[tilespmem:$0x14000] =	vst v63  }
0x13: {  	_ =	swait.ge [sflag:s7], $0x8000  }
0x14: {  	s14 =	sshll.u32 s14, $0x2;
	[sflag:s7] =	ssyncset.done $0x0  }
0x15: {  	s13 =	sadd.s32 s13, s14;
	[sflag:s7] =	ssyncadd.s32 $0xFFFF8000  }
0x16: {  	[hbm4b:s13+s3] =	stream.linear.scatter [tilespmem:s10], [sflag:$0x3], $0x8000, $0x38;
	[tilespmem:$0x14000] =	vst v63  }
0x17: {  	_ =	swait.ge [sflag:s4], $0x8000  }
0x18: {  	[sflag:s4] =	ssyncset.done $0x0  }
0x19: {  	s15 =	simm.s32 $0x2;
	s14 =	simm.s32 $0x2800;
	[sflag:s4] =	ssyncadd.s32 $0xFFFF8000  }
0x1a: {  	[tilespmem:s10], [sflag:$0x1] =	stream.indirect.gather [hbm4b:s8+s9], $0x20, s14, s9, $0xb8;
	[tilespmem:$0x14000] =	vst v63  }
0x1b: {  	_ =	swait.ge [sflag:s15], $0x8000  }
0x1c: {  	[sflag:s15] =	ssyncset.done $0x0  }
0x1d: {  	s16 =	sadd.s32 $0x1000, s13;
	[sflag:s15] =	ssyncadd.s32 $0xFFFF8000  }
0x1e: {  	[hbm4b:s16+s3] =	stream.linear.scatter [tilespmem:s12], [sflag:$0x3], $0x8000, $0x38;
	[tilespmem:$0x14000] =	vst v63  }
0x1f: {  	_ =	swait.ge [sflag:s4], $0x8000  }
0x20: {  	[sflag:s4] =	ssyncset.done $0x0  }
0x21: {  	s17 =	simm.s32 $0x2C00;
	[sflag:s4] =	ssyncadd.s32 $0xFFFF8000  }
0x22: {  	[tilespmem:s12], [sflag:$0x2] =	stream.indirect.gather [hbm4b:s8+s9], $0x20, s17, s9, $0xb8;
	[tilespmem:$0x14000] =	vst v63  }
0x23: {  	_ =	swait.ge [sflag:s7], $0x8000  }
0x24: {  	[sflag:s7] =	ssyncset.done $0x0  }
0x25: {  	s18 =	sadd.s32 $0x2000, s13;
	[sflag:s7] =	ssyncadd.s32 $0xFFFF8000  }
0x26: {  	[hbm4b:s18+s3] =	stream.linear.scatter [tilespmem:s10], [sflag:$0x3], $0x8000, $0x38;
	[tilespmem:$0x14000] =	vst v63  }
0x27: {  	_ =	swait.ge [sflag:s4], $0x8000  }
0x28: {  	[sflag:s4] =	ssyncset.done $0x0  }
0x29: {  	s19 =	simm.s32 $0x3000;
	[sflag:s4] =	ssyncadd.s32 $0xFFFF8000  }
0x2a: {  	[tilespmem:s10], [sflag:$0x1] =	stream.indirect.gather [hbm4b:s8+s9], $0x20, s19, s9, $0xb8;
	[tilespmem:$0x14000] =	vst v63  }
0x2b: {  	_ =	swait.ge [sflag:s15], $0x8000  }
0x2c: {  	[sflag:s15] =	ssyncset.done $0x0  }
0x2d: {  	s20 =	sadd.s32 $0x3000, s13;
	[sflag:s15] =	ssyncadd.s32 $0xFFFF8000  }
0x2e: {  	[hbm4b:s20+s3] =	stream.linear.scatter [tilespmem:s12], [sflag:$0x3], $0x8000, $0x38;
	[tilespmem:$0x14000] =	vst v63  }
0x2f: {  	_ =	swait.ge [sflag:s4], $0x8000  }
0x30: {  	[sflag:s4] =	ssyncset.done $0x0  }
0x31: {  	s21 =	simm.s32 $0x3400;
	[sflag:s4] =	ssyncadd.s32 $0xFFFF8000  }
0x32: {  	[tilespmem:s12], [sflag:$0x2] =	stream.indirect.gather [hbm4b:s8+s9], $0x20, s21, s9, $0xb8;
	[tilespmem:$0x14000] =	vst v63  }
0x33: {  	_ =	swait.ge [sflag:s7], $0x8000  }
0x34: {  	[sflag:s7] =	ssyncset.done $0x0  }
0x35: {  	s22 =	sadd.s32 $0x4000, s13;
	[sflag:s7] =	ssyncadd.s32 $0xFFFF8000  }
0x36: {  	[hbm4b:s22+s3] =	stream.linear.scatter [tilespmem:s10], [sflag:$0x3], $0x8000, $0x38;
	[tilespmem:$0x14000] =	vst v63  }
0x37: {  	_ =	swait.ge [sflag:s4], $0x8000  }
0x38: {  	[sflag:s4] =	ssyncset.done $0x0  }
0x39: {  	s23 =	simm.s32 $0x3800;
	[sflag:s4] =	ssyncadd.s32 $0xFFFF8000  }
0x3a: {  	[tilespmem:s10], [sflag:$0x1] =	stream.indirect.gather [hbm4b:s8+s9], $0x20, s23, s9, $0xb8;
	[tilespmem:$0x14000] =	vst v63  }
0x3b: {  	_ =	swait.ge [sflag:s15], $0x8000  }
0x3c: {  	[sflag:s15] =	ssyncset.done $0x0  }
0x3d: {  	s24 =	sadd.s32 $0x5000, s13;
	[sflag:s15] =	ssyncadd.s32 $0xFFFF8000  }
0x3e: {  	[hbm4b:s24+s3] =	stream.linear.scatter [tilespmem:s12], [sflag:$0x3], $0x8000, $0x38;
	[tilespmem:$0x14000] =	vst v63  }
0x3f: {  	_ =	swait.ge [sflag:s4], $0x8000  }
0x40: {  	[sflag:s4] =	ssyncset.done $0x0  }
0x41: {  	s25 =	simm.s32 $0x3C00;
	[sflag:s4] =	ssyncadd.s32 $0xFFFF8000  }
0x42: {  	[tilespmem:s12], [sflag:$0x2] =	stream.indirect.gather [hbm4b:s8+s9], $0x20, s25, s9, $0xb8;
	[tilespmem:$0x14000] =	vst v63  }
0x43: {  	_ =	swait.ge [sflag:s7], $0x8000  }
0x44: {  	[sflag:s7] =	ssyncset.done $0x0  }
0x45: {  	s28 =	ssub.s32 $0x2, s28;
	s26 =	sadd.s32 $0x6000, s13;
	[sflag:s7] =	ssyncadd.s32 $0xFFFF8000  }
0x46: {  	[hbm4b:s26+s3] =	stream.linear.scatter [tilespmem:s10], [sflag:$0x3], $0x8000, $0x38;
	[tilespmem:$0x14000] =	vst v63  }
0x47: {  	s29 =	sshrl.u32 s28, $0x1;
	_ =	swait.ge [sflag:s4], $0x8000  }
0x48: {  	s28 =	ssub.s32 s28, s29;
	[sflag:s4] =	ssyncset.done $0x0  }
0x49: {  	s29 =	smax.u32 s28, $0x1;
	[sflag:s4] =	ssyncadd.s32 $0xFFFF8000  }
0x4a: {  	p0 =	sne.s32 s29, $0x1;
	_ =	swait.ge [sflag:s15], $0x8000  }
.Ltmp0:
0x4b: {  	[sflag:s15] =	ssyncset.done $0x0;
	(pc) =	sbr.rel @!p0 .LBB2_2-.Ltmp0, $4  }
0x4c: {  	s28 =	sadd.s32 $0x7000, s13;
	[sflag:s15] =	ssyncadd.s32 $0xFFFF8000  }
0x4d: {  	[hbm4b:s28+s3] =	stream.linear.scatter [tilespmem:s12], [sflag:$0x3], $0x8000, $0x38;
	[tilespmem:$0x14000] =	vst v63  }
0x4e: {  	_ =	swait.ge [sflag:s4], $0x8000  }
0x4f: {  	s29 =	sadd.s32 $0xFFFFFFFF, s29;
	[sflag:s4] =	ssyncset.done $0x0  }
.LBB2_1:
0x50: {  	p0 =	sne.s32 s29, $0x1;
	s29 =	sadd.s32 $0xFFFFFFFF, s29;
	[sflag:s4] =	ssyncadd.s32 $0xFFFF8000  }
0x51: {  	[tilespmem:s3], [sflag:$0x3] =	stream.linear.gather [hbm4b:s5+s3], $0x2000, $0x38;
	[tilespmem:$0x14000] =	vst v63  }
0x52: {  	_ =	swait.ge [sflag:s4], $0x2000  }
0x53: {  	[sflag:s4] =	ssyncset.done $0x0  }
0x54: {  	[sflag:s4] =	ssyncadd.s32 $0xFFFFE000  }
0x55: {  	[tilespmem:s6], [sflag:$0x1] =	stream.indirect.gather [hbm4b:s1+s6], $0x1, s3, s6, $0xb8;
	[tilespmem:$0x14000] =	vst v63  }
0x56: {  	_ =	swait.ge [sflag:s7], $0x2000  }
0x57: {  	[sflag:s7] =	ssyncset.done $0x0  }
0x58: {  	[sflag:s7] =	ssyncadd.s32 $0xFFFFE000  }
0x59: {  	[tilespmem:s10], [sflag:$0x1] =	stream.indirect.gather [hbm4b:s8+s9], $0x20, s6, s9, $0xb8;
	[tilespmem:$0x14000] =	vst v63  }
0x5a: {  	_ = 	snop  }
0x5b: {  	[tilespmem:s12], [sflag:$0x2] =	stream.indirect.gather [hbm4b:s8+s9], $0x20, s11, s9, $0xb8;
	[tilespmem:$0x14000] =	vst v63  }
0x5c: {  	_ =	swait.ge [sflag:s7], $0x8000  }
0x5d: {  	[sflag:s7] =	ssyncset.done $0x0  }
0x5e: {  	[sflag:s7] =	ssyncadd.s32 $0xFFFF8000  }
0x5f: {  	[hbm4b:s13+s3] =	stream.linear.scatter [tilespmem:s10], [sflag:$0x3], $0x8000, $0x38;
	[tilespmem:$0x14000] =	vst v63  }
0x60: {  	_ =	swait.ge [sflag:s4], $0x8000  }
0x61: {  	[sflag:s4] =	ssyncset.done $0x0  }
0x62: {  	[sflag:s4] =	ssyncadd.s32 $0xFFFF8000  }
0x63: {  	[tilespmem:s10], [sflag:$0x1] =	stream.indirect.gather [hbm4b:s8+s9], $0x20, s14, s9, $0xb8;
	[tilespmem:$0x14000] =	vst v63  }
0x64: {  	_ =	swait.ge [sflag:s15], $0x8000  }
0x65: {  	[sflag:s15] =	ssyncset.done $0x0  }
0x66: {  	[sflag:s15] =	ssyncadd.s32 $0xFFFF8000  }
0x67: {  	[hbm4b:s16+s3] =	stream.linear.scatter [tilespmem:s12], [sflag:$0x3], $0x8000, $0x38;
	[tilespmem:$0x14000] =	vst v63  }
0x68: {  	_ =	swait.ge [sflag:s4], $0x8000  }
0x69: {  	[sflag:s4] =	ssyncset.done $0x0  }
0x6a: {  	[sflag:s4] =	ssyncadd.s32 $0xFFFF8000  }
0x6b: {  	[tilespmem:s12], [sflag:$0x2] =	stream.indirect.gather [hbm4b:s8+s9], $0x20, s17, s9, $0xb8;
	[tilespmem:$0x14000] =	vst v63  }
0x6c: {  	_ =	swait.ge [sflag:s7], $0x8000  }
0x6d: {  	[sflag:s7] =	ssyncset.done $0x0  }
0x6e: {  	[sflag:s7] =	ssyncadd.s32 $0xFFFF8000  }
0x6f: {  	[hbm4b:s18+s3] =	stream.linear.scatter [tilespmem:s10], [sflag:$0x3], $0x8000, $0x38;
	[tilespmem:$0x14000] =	vst v63  }
0x70: {  	_ =	swait.ge [sflag:s4], $0x8000  }
0x71: {  	[sflag:s4] =	ssyncset.done $0x0  }
0x72: {  	[sflag:s4] =	ssyncadd.s32 $0xFFFF8000  }
0x73: {  	[tilespmem:s10], [sflag:$0x1] =	stream.indirect.gather [hbm4b:s8+s9], $0x20, s19, s9, $0xb8;
	[tilespmem:$0x14000] =	vst v63  }
0x74: {  	_ =	swait.ge [sflag:s15], $0x8000  }
0x75: {  	[sflag:s15] =	ssyncset.done $0x0  }
0x76: {  	[sflag:s15] =	ssyncadd.s32 $0xFFFF8000  }
0x77: {  	[hbm4b:s20+s3] =	stream.linear.scatter [tilespmem:s12], [sflag:$0x3], $0x8000, $0x38;
	[tilespmem:$0x14000] =	vst v63  }
0x78: {  	_ =	swait.ge [sflag:s4], $0x8000  }
0x79: {  	[sflag:s4] =	ssyncset.done $0x0  }
0x7a: {  	[sflag:s4] =	ssyncadd.s32 $0xFFFF8000  }
0x7b: {  	[tilespmem:s12], [sflag:$0x2] =	stream.indirect.gather [hbm4b:s8+s9], $0x20, s21, s9, $0xb8;
	[tilespmem:$0x14000] =	vst v63  }
0x7c: {  	_ =	swait.ge [sflag:s7], $0x8000  }
0x7d: {  	[sflag:s7] =	ssyncset.done $0x0  }
0x7e: {  	[sflag:s7] =	ssyncadd.s32 $0xFFFF8000  }
0x7f: {  	[hbm4b:s22+s3] =	stream.linear.scatter [tilespmem:s10], [sflag:$0x3], $0x8000, $0x38;
	[tilespmem:$0x14000] =	vst v63  }
0x80: {  	_ =	swait.ge [sflag:s4], $0x8000  }
0x81: {  	[sflag:s4] =	ssyncset.done $0x0  }
0x82: {  	[sflag:s4] =	ssyncadd.s32 $0xFFFF8000  }
0x83: {  	[tilespmem:s10], [sflag:$0x1] =	stream.indirect.gather [hbm4b:s8+s9], $0x20, s23, s9, $0xb8;
	[tilespmem:$0x14000] =	vst v63  }
0x84: {  	_ =	swait.ge [sflag:s15], $0x8000  }
0x85: {  	[sflag:s15] =	ssyncset.done $0x0  }
0x86: {  	[sflag:s15] =	ssyncadd.s32 $0xFFFF8000  }
0x87: {  	[hbm4b:s24+s3] =	stream.linear.scatter [tilespmem:s12], [sflag:$0x3], $0x8000, $0x38;
	[tilespmem:$0x14000] =	vst v63  }
0x88: {  	_ =	swait.ge [sflag:s4], $0x8000  }
0x89: {  	[sflag:s4] =	ssyncset.done $0x0  }
0x8a: {  	[sflag:s4] =	ssyncadd.s32 $0xFFFF8000  }
0x8b: {  	[tilespmem:s12], [sflag:$0x2] =	stream.indirect.gather [hbm4b:s8+s9], $0x20, s25, s9, $0xb8;
	[tilespmem:$0x14000] =	vst v63  }
0x8c: {  	_ =	swait.ge [sflag:s7], $0x8000  }
0x8d: {  	[sflag:s7] =	ssyncset.done $0x0  }
0x8e: {  	[sflag:s7] =	ssyncadd.s32 $0xFFFF8000  }
0x8f: {  	[hbm4b:s26+s3] =	stream.linear.scatter [tilespmem:s10], [sflag:$0x3], $0x8000, $0x38;
	[tilespmem:$0x14000] =	vst v63  }
0x90: {  	_ =	swait.ge [sflag:s4], $0x8000  }
0x91: {  	[sflag:s4] =	ssyncset.done $0x0  }
0x92: {  	[sflag:s4] =	ssyncadd.s32 $0xFFFF8000  }
0x93: {  	_ =	swait.ge [sflag:s15], $0x8000  }
.Ltmp1:
0x94: {  	[sflag:s15] =	ssyncset.done $0x0;
	(pc) =	sbr.rel @p0 .LBB2_1-.Ltmp1, $4  }
0x95: {  	[sflag:s15] =	ssyncadd.s32 $0xFFFF8000  }
0x96: {  	[hbm4b:s28+s3] =	stream.linear.scatter [tilespmem:s12], [sflag:$0x3], $0x8000, $0x38;
	[tilespmem:$0x14000] =	vst v63  }
0x97: {  	_ =	swait.ge [sflag:s4], $0x8000  }
0x98: {  	[sflag:s4] =	ssyncset.done $0x0  }
.LBB2_2:
0x99: {  	[sflag:s4] =	ssyncadd.s32 $0xFFFF8000  }
0x9a: {  	_ =	sfence.sel $0x180000  }
0x9b: {  	[bflag:$0x0] =	sbarrier.arrive $0xFFFF  }
0x9c: {  	p0 =	sne.s32 s0, $0x0;
	_ =	strace $0x90000047  }
0x9d: {  	s0 =	sadd.s32 @!p0 $0x100000, s2;
	[bflag:$0x2] =	sbarrier.arrive $0xFFFF  }
0x9e: {  	[sflag:s0] =	ssyncadd.tile.s32 @!p0 $0x1;
	_ =	shalt  }
.Lfunc_end2:
_tile_overlayer_lowered:
.L_overlay_start_2:
0x9f: {  	(tag) =	ssettag $0x2  }
0xa0: {  	s0 =	rddreg [dreg:$0x0];
	s2 =	stileid.u32  }
0xa1: {  	s1 =	rddreg [dreg:$0x1];
	p0 =	sne.s32 s2, $0x0  }
0xa2: {  	s3 =	rddreg [dreg:$0x2];
	[bflag:$0x3] =	sbarrier.arrive $0xFFFF;
	s2 =	simm.s32 @!p0 $0x1C03  }
0xa3: {  	[timem:s3], [sflag:s2] =	dma.local @!p0 [hbm:s0], s1  }
0xa4: {  	s0 =	simm.s32 @!p0 $0x3  }
0xa5: {  	_ =	swait.ge @!p0 [sflag:s0], s1  }
0xa6: {  	s1 =	ssub.s32 @!p0 $0x0, s1;
	[sflag:s0] =	ssyncset.done @!p0 $0x0  }
0xa7: {  	[sflag:s0] =	ssyncadd.s32 @!p0 s1  }
0xa8: {  	[bflag:$0x3] =	sbarrier.arrive $0xFFFF  }
0xa9: {  	_ =	shalt  }

</sc_bundles>
